<compile_context>
chip_gen: v7x
topology: tpu7x:2x2x1
jax: 0.10.2.dev20260603
libtpu: 0.0.44.dev20260713+nightly
codegen_flags: <defaults>
</compile_context>

<pallas_src>
import functools
import jax
import jax.numpy as jnp
from jax import lax
from jax.experimental import pallas as pl
from jax.experimental.pallas import tpu as pltpu
from jax.experimental.pallas import tpu_sc as plsc

N = 10000
E = 320000
D = 128
NP = 10240
DA = 144
NC = 2
NS = 16
EPT = E // (NC * NS)
CH = 80
STEPS = EPT // CH
RPT = NP // NS


def _mm_body(na_ref, w_ref, b_ref, o_ref):
    acc = jnp.dot(na_ref[...], w_ref[...], preferred_element_type=jnp.float32)
    acc = acc + b_ref[...]
    ones = jnp.ones((acc.shape[0], DA - D), jnp.float32)
    o_ref[...] = jnp.concatenate([acc, ones], axis=1)


def _matmul_aug(na_p, W, b):
    blk = 1024
    grid = NP // blk
    return pl.pallas_call(
        _mm_body,
        grid=(grid,),
        in_specs=[
            pl.BlockSpec((blk, D), lambda i: (i, 0)),
            pl.BlockSpec((D, D), lambda i: (0, 0)),
            pl.BlockSpec((1, D), lambda i: (0, 0)),
        ],
        out_specs=pl.BlockSpec((blk, DA), lambda i: (i, 0)),
        out_shape=jax.ShapeDtypeStruct((NP, DA), jnp.float32),
    )(na_p, W, b.reshape(1, D))


def _sc_body(x_hbm, src_hbm, dst_hbm, z_hbm, adj_out,
             sidx_v, didx_v, rows_v, accum_s, sem):
    c = lax.axis_index("c")
    s = lax.axis_index("s")
    wid = c * NS + s

    @pl.when(s == 0)
    def _():
        pltpu.sync_copy(z_hbm, accum_s)

    plsc.subcore_barrier()

    base = wid * EPT

    def step(g, carry):
        off = base + g * CH
        pltpu.sync_copy(src_hbm.at[pl.ds(off, CH)], sidx_v)
        pltpu.sync_copy(dst_hbm.at[pl.ds(off, CH)], didx_v)
        pltpu.async_copy(x_hbm.at[sidx_v], rows_v, sem).wait()
        pltpu.sync_copy(rows_v, accum_s.at[didx_v], add=True)
        return carry

    lax.fori_loop(0, STEPS, step, 0)

    plsc.subcore_barrier()

    r0 = s * RPT
    pltpu.sync_copy(accum_s.at[pl.ds(r0, RPT)], adj_out.at[c, pl.ds(r0, RPT)])


def _sc_scatter(x_aug, src, dst, z):
    mesh = plsc.VectorSubcoreMesh(core_axis_name="c", subcore_axis_name="s")
    f = functools.partial(
        pl.kernel,
        out_type=jax.ShapeDtypeStruct((NC, NP, DA), jnp.float32),
        mesh=mesh,
        scratch_types=[
            pltpu.VMEM((CH,), jnp.int32),
            pltpu.VMEM((CH,), jnp.int32),
            pltpu.VMEM((CH, DA), jnp.float32),
            pltpu.VMEM_SHARED((NP, DA), jnp.float32),
            pltpu.SemaphoreType.DMA,
        ],
        compiler_params=pltpu.CompilerParams(use_tc_tiling_on_sc=False),
    )(_sc_body)
    return f(x_aug, src, dst, z)


def _comb_body(x_ref, a0_ref, a1_ref, o_ref):
    ssum = x_ref[:, :D] + a0_ref[:, :D] + a1_ref[:, :D]
    deg = a0_ref[:, D:D + 1] + a1_ref[:, D:D + 1] + 1.0
    o_ref[...] = ssum / deg


def _combine(x_aug, a0, a1):
    blk = 1024
    grid = NP // blk
    return pl.pallas_call(
        _comb_body,
        grid=(grid,),
        in_specs=[
            pl.BlockSpec((blk, DA), lambda i: (i, 0)),
            pl.BlockSpec((blk, DA), lambda i: (i, 0)),
            pl.BlockSpec((blk, DA), lambda i: (i, 0)),
        ],
        out_specs=pl.BlockSpec((blk, D), lambda i: (i, 0)),
        out_shape=jax.ShapeDtypeStruct((NP, D), jnp.float32),
    )(x_aug, a0, a1)


def kernel(node_attr, edge_index, W, b):
    na_p = jnp.pad(node_attr, ((0, NP - N), (0, 0)))
    x_aug = _matmul_aug(na_p, W, b)
    dst = edge_index[0]
    src = edge_index[1]
    z = jnp.zeros((NP, DA), jnp.float32)
    adj = _sc_scatter(x_aug, src, dst, z)
    out = _combine(x_aug, adj[0], adj[1])
    return out[:N]

# --- scband reference (transcript-rebuilt; emitter-appended) ---
"""Pipeline reference for scband-gcnmain-block-71159018160288 (READ-ONLY COPY).

The authoritative reference and input builder live on the scoring server;
editing this copy changes nothing except your own understanding.
"""

import jax, jax.numpy as jnp
import numpy as np

N = 10000
E = 320000
D = 128

def setup_inputs(seed: int = 0) -> dict:
    key = jax.random.key(seed)
    k1, k2, k3, k4 = jax.random.split(key, 4)
    node_attr = jax.random.normal(k1, (N, D), dtype=jnp.float32)
    edge_index = jax.random.randint(k2, (2, E), 0, N, dtype=jnp.int32)
    # Learned params for nn.Linear(hidden_dim, hidden_dim)
    W = jax.random.normal(k3, (D, D), dtype=jnp.float32) * (1.0 / np.sqrt(D))
    b = jax.random.normal(k4, (D,), dtype=jnp.float32) * 0.01
    return {"node_attr": node_attr, "edge_index": edge_index, "W": W, "b": b}

def reference(node_attr, edge_index, W, b):
    # node_attr = self.linear(node_attr)  (torch Linear: x @ W.T + b; here W is stored transposed)
    x = node_attr @ W + b
    dst = edge_index[0]
    src = edge_index[1]
    # scatter_sum(node_attr[edge_index[1]], edge_index[0], dim=0, dim_size=N)
    adjacent = jax.ops.segment_sum(x[src], dst, num_segments=N)
    x = x + adjacent
    # degree = scatter_sum(ones, dst) ; degree = degree + 1
    deg = jax.ops.segment_sum(jnp.ones((E,), dtype=x.dtype), dst, num_segments=N)
    deg = (deg + 1.0)[:, None]
    return x / deg

if __name__ == "__main__":
    import jax
    _d = setup_inputs()
    print(jax.jit(kernel)(*tuple(_d.values())))

</pallas_src>

<mosaic_0001>
#map = affine_map<(d0, d1) -> (0, 0)>
#map1 = affine_map<(d0, d1) -> (0)>
#map2 = affine_map<(d0, d1) -> (0, 0, 0)>
module attributes {stable_mosaic.version = 14 : i64} {
  func.func @_sc_body(%arg0: i32, %arg1: i32, %arg2: memref<10240x144xf32, #tpu.memory_space<hbm>>, %arg3: memref<320000xi32, #tpu.memory_space<hbm>>, %arg4: memref<320000xi32, #tpu.memory_space<hbm>>, %arg5: memref<10240x144xf32, #tpu.memory_space<hbm>>, %arg6: memref<2x10240x144xf32, #tpu.memory_space<hbm>>, %arg7: memref<80xi32, #tpu.memory_space<vmem>>, %arg8: memref<80xi32, #tpu.memory_space<vmem>>, %arg9: memref<80x144xf32, #tpu.memory_space<vmem>>, %arg10: memref<10240x144xf32, #tpu.memory_space<vmem_shared>>, %arg11: memref<!tpu.dma_semaphore, #tpu.memory_space<semaphore_mem>>) attributes {dimension_semantics = [#tpu.dimension_semantics<core_parallel>, #tpu.dimension_semantics<subcore_parallel>], iteration_bounds = array<i64: 2, 16>, scalar_prefetch = 0 : i64, scratch_operands = 5 : i64, tpu.core_type = #tpu.core_type<sc_vector_subcore>, window_params = [{transform_indices = #map}, {transform_indices = #map1}, {transform_indices = #map1}, {transform_indices = #map}, {transform_indices = #map2}]} {
    %mul3A = arith.constant 16 : i32
    %mul3A_0 = arith.muli %arg0, %mul3A : i32
    %add3A = arith.addi %mul3A_0, %arg1 : i32
    %eq3A = arith.constant 0 : i32
    %eq3A_1 = arith.cmpi eq, %arg1, %eq3A : i32
    %convert_element_type3A = arith.extui %eq3A_1 : i1 to i32
    %cond3A = arith.constant 0 : i32
    %cond3A_2 = arith.cmpi ne, %convert_element_type3A, %cond3A : i32
    scf.if %cond3A_2 {
      "tpu.region"() ({
        %run_scoped3A = tpu.sem_alloc : memref<!tpu.dma_semaphore, #tpu.memory_space<semaphore_mem>>
        tpu.enqueue_dma source(%arg5 : memref<10240x144xf32, #tpu.memory_space<hbm>>) target(%arg10 : memref<10240x144xf32, #tpu.memory_space<vmem_shared>>) target_semaphore(%run_scoped3A : memref<!tpu.dma_semaphore, #tpu.memory_space<semaphore_mem>>)
        tpu.wait_dma2 semaphore(%run_scoped3A : memref<!tpu.dma_semaphore, #tpu.memory_space<semaphore_mem>>) src(%arg5 : memref<10240x144xf32, #tpu.memory_space<hbm>>) dst(%arg10 : memref<10240x144xf32, #tpu.memory_space<vmem_shared>>)
        tpu.yield
      }) : () -> ()
    } else {
    }
    %barrier3A = arith.constant 0 : index
    tpu.barrier barrier_id(%barrier3A)
    %mul3A_3 = arith.constant 10000 : i32
    %mul3A_4 = arith.muli %add3A, %mul3A_3 : i32
    %scan3A = arith.constant 0 : i32
    %scan3A_5 = arith.constant 0 : i32
    %scan3A_6 = arith.constant 125 : i32
    %scan3A_7 = arith.addi %scan3A_5, %scan3A_6 : i32
    %scan3A_8 = arith.constant 1 : i32
    scf.for %scan3A_13 = %scan3A_5 to %scan3A_7 step %scan3A_8  : i32 {
      %mul3A_14 = arith.constant 80 : i32
      %mul3A_15 = arith.muli %scan3A_13, %mul3A_14 : i32
      %add3A_16 = arith.addi %mul3A_4, %mul3A_15 : i32
      "tpu.region"() ({
        %run_scoped3A = tpu.sem_alloc : memref<!tpu.dma_semaphore, #tpu.memory_space<semaphore_mem>>
        %dma_start3A_21 = tpu.memref_slice %arg3[%add3A_16] : memref<320000xi32, #tpu.memory_space<hbm>> -> memref<80xi32, #tpu.memory_space<hbm>>
        %dma_start3A_22 = tpu.memref_slice %arg3[%add3A_16] : memref<320000xi32, #tpu.memory_space<hbm>> -> memref<80xi32, #tpu.memory_space<hbm>>
        tpu.enqueue_dma source(%dma_start3A_22 : memref<80xi32, #tpu.memory_space<hbm>>) target(%arg7 : memref<80xi32, #tpu.memory_space<vmem>>) target_semaphore(%run_scoped3A : memref<!tpu.dma_semaphore, #tpu.memory_space<semaphore_mem>>)
        %dma_wait3A_23 = tpu.memref_slice %arg3[%add3A_16] : memref<320000xi32, #tpu.memory_space<hbm>> -> memref<80xi32, #tpu.memory_space<hbm>>
        %dma_wait3A_24 = tpu.memref_slice %arg3[%add3A_16] : memref<320000xi32, #tpu.memory_space<hbm>> -> memref<80xi32, #tpu.memory_space<hbm>>
        tpu.wait_dma2 semaphore(%run_scoped3A : memref<!tpu.dma_semaphore, #tpu.memory_space<semaphore_mem>>) src(%dma_wait3A_24 : memref<80xi32, #tpu.memory_space<hbm>>) dst(%arg7 : memref<80xi32, #tpu.memory_space<vmem>>)
        tpu.yield
      }) : () -> ()
      "tpu.region"() ({
        %run_scoped3A = tpu.sem_alloc : memref<!tpu.dma_semaphore, #tpu.memory_space<semaphore_mem>>
        %dma_start3A_21 = tpu.memref_slice %arg4[%add3A_16] : memref<320000xi32, #tpu.memory_space<hbm>> -> memref<80xi32, #tpu.memory_space<hbm>>
        %dma_start3A_22 = tpu.memref_slice %arg4[%add3A_16] : memref<320000xi32, #tpu.memory_space<hbm>> -> memref<80xi32, #tpu.memory_space<hbm>>
        tpu.enqueue_dma source(%dma_start3A_22 : memref<80xi32, #tpu.memory_space<hbm>>) target(%arg8 : memref<80xi32, #tpu.memory_space<vmem>>) target_semaphore(%run_scoped3A : memref<!tpu.dma_semaphore, #tpu.memory_space<semaphore_mem>>)
        %dma_wait3A_23 = tpu.memref_slice %arg4[%add3A_16] : memref<320000xi32, #tpu.memory_space<hbm>> -> memref<80xi32, #tpu.memory_space<hbm>>
        %dma_wait3A_24 = tpu.memref_slice %arg4[%add3A_16] : memref<320000xi32, #tpu.memory_space<hbm>> -> memref<80xi32, #tpu.memory_space<hbm>>
        tpu.wait_dma2 semaphore(%run_scoped3A : memref<!tpu.dma_semaphore, #tpu.memory_space<semaphore_mem>>) src(%dma_wait3A_24 : memref<80xi32, #tpu.memory_space<hbm>>) dst(%arg8 : memref<80xi32, #tpu.memory_space<vmem>>)
        tpu.yield
      }) : () -> ()
      %dma_start3A = arith.constant 0 : i32
      %dma_start3A_17 = arith.constant 0 : i32
      %dma_start3A_18 = tpu.memref_slice %arg2[%dma_start3A, %dma_start3A_17] : memref<10240x144xf32, #tpu.memory_space<hbm>> -> memref<10240x144xf32, #tpu.memory_space<hbm>>
      tpu.enqueue_indirect_dma source(%dma_start3A_18 : memref<10240x144xf32, #tpu.memory_space<hbm>>) target(%arg9 : memref<80x144xf32, #tpu.memory_space<vmem>>) offsets(%arg7 : memref<80xi32, #tpu.memory_space<vmem>>) semaphore(%arg11 : memref<!tpu.dma_semaphore, #tpu.memory_space<semaphore_mem>>)
      %dma_wait3A = arith.constant 0 : i32
      %dma_wait3A_19 = arith.constant 0 : i32
      %dma_wait3A_20 = tpu.memref_slice %arg2[%dma_wait3A, %dma_wait3A_19] : memref<10240x144xf32, #tpu.memory_space<hbm>> -> memref<10240x144xf32, #tpu.memory_space<hbm>>
      tpu.wait_indirect_dma semaphore(%arg11 : memref<!tpu.dma_semaphore, #tpu.memory_space<semaphore_mem>>) src(%dma_wait3A_20 : memref<10240x144xf32, #tpu.memory_space<hbm>>) dst(%arg9 : memref<80x144xf32, #tpu.memory_space<vmem>>)
      "tpu.region"() ({
        %run_scoped3A = tpu.sem_alloc : memref<!tpu.dma_semaphore, #tpu.memory_space<semaphore_mem>>
        %dma_start3A_21 = arith.constant 0 : i32
        %dma_start3A_22 = arith.constant 0 : i32
        %dma_start3A_23 = tpu.memref_slice %arg10[%dma_start3A_21, %dma_start3A_22] : memref<10240x144xf32, #tpu.memory_space<vmem_shared>> -> memref<10240x144xf32, #tpu.memory_space<vmem_shared>>
        tpu.enqueue_indirect_dma source(%arg9 : memref<80x144xf32, #tpu.memory_space<vmem>>) target(%dma_start3A_23 : memref<10240x144xf32, #tpu.memory_space<vmem_shared>>) offsets(%arg8 : memref<80xi32, #tpu.memory_space<vmem>>) semaphore(%run_scoped3A : memref<!tpu.dma_semaphore, #tpu.memory_space<semaphore_mem>>) {add = true}
        %dma_wait3A_24 = arith.constant 0 : i32
        %dma_wait3A_25 = arith.constant 0 : i32
        %dma_wait3A_26 = tpu.memref_slice %arg10[%dma_wait3A_24, %dma_wait3A_25] : memref<10240x144xf32, #tpu.memory_space<vmem_shared>> -> memref<10240x144xf32, #tpu.memory_space<vmem_shared>>
        tpu.wait_indirect_dma semaphore(%run_scoped3A : memref<!tpu.dma_semaphore, #tpu.memory_space<semaphore_mem>>) src(%arg9 : memref<80x144xf32, #tpu.memory_space<vmem>>) dst(%dma_wait3A_26 : memref<10240x144xf32, #tpu.memory_space<vmem_shared>>)
        tpu.yield
      }) : () -> ()
    }
    %scan3A_9 = arith.constant 125 : i32
    %barrier3A_10 = arith.constant 0 : index
    tpu.barrier barrier_id(%barrier3A_10)
    %mul3A_11 = arith.constant 640 : i32
    %mul3A_12 = arith.muli %arg1, %mul3A_11 : i32
    "tpu.region"() ({
      %run_scoped3A = tpu.sem_alloc : memref<!tpu.dma_semaphore, #tpu.memory_space<semaphore_mem>>
      %dma_start3A = arith.constant 0 : i32
      %dma_start3A_13 = tpu.memref_slice %arg6[%arg0, %mul3A_12, %dma_start3A] : memref<2x10240x144xf32, #tpu.memory_space<hbm>> -> memref<1x640x144xf32, #tpu.memory_space<hbm>>
      %dma_start3A_14 = tpu.memref_squeeze %dma_start3A_13 : memref<1x640x144xf32, #tpu.memory_space<hbm>> -> memref<640x144xf32, #tpu.memory_space<hbm>>
      %dma_start3A_15 = arith.constant 0 : i32
      %dma_start3A_16 = tpu.memref_slice %arg10[%mul3A_12, %dma_start3A_15] : memref<10240x144xf32, #tpu.memory_space<vmem_shared>> -> memref<640x144xf32, #tpu.memory_space<vmem_shared>>
      tpu.enqueue_dma source(%dma_start3A_16 : memref<640x144xf32, #tpu.memory_space<vmem_shared>>) target(%dma_start3A_14 : memref<640x144xf32, #tpu.memory_space<hbm>>) target_semaphore(%run_scoped3A : memref<!tpu.dma_semaphore, #tpu.memory_space<semaphore_mem>>)
      %dma_wait3A = arith.constant 0 : i32
      %dma_wait3A_17 = tpu.memref_slice %arg6[%arg0, %mul3A_12, %dma_wait3A] : memref<2x10240x144xf32, #tpu.memory_space<hbm>> -> memref<1x640x144xf32, #tpu.memory_space<hbm>>
      %dma_wait3A_18 = tpu.memref_squeeze %dma_wait3A_17 : memref<1x640x144xf32, #tpu.memory_space<hbm>> -> memref<640x144xf32, #tpu.memory_space<hbm>>
      %dma_wait3A_19 = arith.constant 0 : i32
      %dma_wait3A_20 = tpu.memref_slice %arg10[%mul3A_12, %dma_wait3A_19] : memref<10240x144xf32, #tpu.memory_space<vmem_shared>> -> memref<640x144xf32, #tpu.memory_space<vmem_shared>>
      tpu.wait_dma2 semaphore(%run_scoped3A : memref<!tpu.dma_semaphore, #tpu.memory_space<semaphore_mem>>) src(%dma_wait3A_20 : memref<640x144xf32, #tpu.memory_space<vmem_shared>>) dst(%dma_wait3A_18 : memref<640x144xf32, #tpu.memory_space<hbm>>)
      tpu.yield
    }) : () -> ()
    return
  }
}

module attributes {stable_mosaic.version = 14 : i64} {
  func.func @_mm_body(%arg0: i32, %arg1: memref<1024x128xf32, #tpu.memory_space<vmem>>, %arg2: memref<128x128xf32, #tpu.memory_space<vmem>>, %arg3: memref<1x128xf32, #tpu.memory_space<vmem>>, %arg4: memref<1024x144xf32, #tpu.memory_space<vmem>>) attributes {dimension_semantics = [#tpu.dimension_semantics<arbitrary>], iteration_bounds = array<i64: 10>, scalar_prefetch = 0 : i64, scratch_operands = 0 : i64, tpu.core_type = #tpu.core_type<tc>, window_params = [{transform_indices = @transform_0, window_bounds = array<i64: 1024, 128>}, {pipeline_mode = #tpu.pipeline_mode<synchronous>, transform_indices = @transform_1, window_bounds = array<i64: 128, 128>}, {pipeline_mode = #tpu.pipeline_mode<synchronous>, transform_indices = @transform_2, window_bounds = array<i64: 1, 128>}, {transform_indices = @transform_3, window_bounds = array<i64: 1024, 144>}]} {
    %get3A = arith.constant 0 : index
    %get3A_0 = arith.constant 0 : index
    %get3A_1 = vector.load %arg1[%get3A, %get3A_0] : memref<1024x128xf32, #tpu.memory_space<vmem>>, vector<1024x128xf32>
    %get3A_2 = arith.constant 0 : index
    %get3A_3 = arith.constant 0 : index
    %get3A_4 = vector.load %arg2[%get3A_2, %get3A_3] : memref<128x128xf32, #tpu.memory_space<vmem>>, vector<128x128xf32>
    %dot_general3A = arith.constant dense<0.000000e+00> : vector<1024x128xf32>
    %dot_general3A_5 = tpu.matmul %get3A_1, %get3A_4, %dot_general3A {dimension_numbers = #tpu.dot_dimension_numbers<[1], [0], [0], [1], [0, 0, 1, 1], [], []>, transpose_lhs_hint = false} : vector<1024x128xf32>, vector<128x128xf32>, vector<1024x128xf32> -> vector<1024x128xf32>
    %get3A_6 = arith.constant 0 : index
    %get3A_7 = arith.constant 0 : index
    %get3A_8 = vector.load %arg3[%get3A_6, %get3A_7] : memref<1x128xf32, #tpu.memory_space<vmem>>, vector<1x128xf32>
    %add3A = vector.broadcast %get3A_8 : vector<1x128xf32> to vector<1024x128xf32>
    %add3A_9 = arith.addf %dot_general3A_5, %add3A : vector<1024x128xf32>
    %broadcast_in_dim3A = arith.constant 1.000000e+00 : f32
    %broadcast_in_dim3A_10 = vector.broadcast %broadcast_in_dim3A : f32 to vector<1024x16xf32>
    %concatenate3A = tpu.concatenate %add3A_9, %broadcast_in_dim3A_10 in 1 : vector<1024x128xf32>, vector<1024x16xf32> -> vector<1024x144xf32>
    %swap3A = arith.constant 0 : index
    %swap3A_11 = arith.constant 0 : index
    %swap3A_12 = vector.load %arg4[%swap3A, %swap3A_11] : memref<1024x144xf32, #tpu.memory_space<vmem>>, vector<1024x144xf32>
    tpu.vector_store %arg4[%swap3A, %swap3A_11], %concatenate3A {strides = array<i32>} : memref<1024x144xf32, #tpu.memory_space<vmem>>, vector<1024x144xf32>,
    return
  }
  func.func @transform_0(%arg0: i32) -> (i32, i32) {
    %c0_i32 = arith.constant 0 : i32
    %c0_i32_0 = arith.constant 0 : i32
    return %arg0, %c0_i32 : i32, i32
  }
  func.func @transform_1(%arg0: i32) -> (i32, i32) {
    %c0_i32 = arith.constant 0 : i32
    %c0_i32_0 = arith.constant 0 : i32
    %c0_i32_1 = arith.constant 0 : i32
    return %c0_i32, %c0_i32_0 : i32, i32
  }
  func.func @transform_2(%arg0: i32) -> (i32, i32) {
    %c0_i32 = arith.constant 0 : i32
    %c0_i32_0 = arith.constant 0 : i32
    %c0_i32_1 = arith.constant 0 : i32
    return %c0_i32, %c0_i32_0 : i32, i32
  }
  func.func @transform_3(%arg0: i32) -> (i32, i32) {
    %c0_i32 = arith.constant 0 : i32
    %c0_i32_0 = arith.constant 0 : i32
    return %arg0, %c0_i32 : i32, i32
  }
}

module attributes {stable_mosaic.version = 14 : i64} {
  func.func @_comb_body(%arg0: i32, %arg1: memref<1024x144xf32, #tpu.memory_space<vmem>>, %arg2: memref<1024x144xf32, #tpu.memory_space<vmem>>, %arg3: memref<1024x144xf32, #tpu.memory_space<vmem>>, %arg4: memref<1024x128xf32, #tpu.memory_space<vmem>>) attributes {dimension_semantics = [#tpu.dimension_semantics<arbitrary>], iteration_bounds = array<i64: 10>, scalar_prefetch = 0 : i64, scratch_operands = 0 : i64, tpu.core_type = #tpu.core_type<tc>, window_params = [{transform_indices = @transform_0, window_bounds = array<i64: 1024, 144>}, {transform_indices = @transform_1, window_bounds = array<i64: 1024, 144>}, {transform_indices = @transform_2, window_bounds = array<i64: 1024, 144>}, {transform_indices = @transform_3, window_bounds = array<i64: 1024, 128>}]} {
    %get3A = arith.constant 0 : index
    %get3A_0 = arith.constant 0 : index
    %get3A_1 = vector.load %arg1[%get3A, %get3A_0] : memref<1024x144xf32, #tpu.memory_space<vmem>>, vector<1024x128xf32>
    %get3A_2 = arith.constant 0 : index
    %get3A_3 = arith.constant 0 : index
    %get3A_4 = vector.load %arg2[%get3A_2, %get3A_3] : memref<1024x144xf32, #tpu.memory_space<vmem>>, vector<1024x128xf32>
    %add3A = arith.addf %get3A_1, %get3A_4 : vector<1024x128xf32>
    %get3A_5 = arith.constant 0 : index
    %get3A_6 = arith.constant 0 : index
    %get3A_7 = vector.load %arg3[%get3A_5, %get3A_6] : memref<1024x144xf32, #tpu.memory_space<vmem>>, vector<1024x128xf32>
    %add3A_8 = arith.addf %add3A, %get3A_7 : vector<1024x128xf32>
    %get3A_9 = arith.constant 0 : index
    %get3A_10 = arith.constant 128 : index
    %get3A_11 = vector.load %arg2[%get3A_9, %get3A_10] : memref<1024x144xf32, #tpu.memory_space<vmem>>, vector<1024x1xf32>
    %get3A_12 = arith.constant 0 : index
    %get3A_13 = arith.constant 128 : index
    %get3A_14 = vector.load %arg3[%get3A_12, %get3A_13] : memref<1024x144xf32, #tpu.memory_space<vmem>>, vector<1024x1xf32>
    %add3A_15 = arith.addf %get3A_11, %get3A_14 : vector<1024x1xf32>
    %add3A_16 = arith.constant 1.000000e+00 : f32
    %add3A_17 = vector.broadcast %add3A_16 : f32 to vector<1024x1xf32>
    %add3A_18 = arith.addf %add3A_15, %add3A_17 : vector<1024x1xf32>
    %div3A = vector.broadcast %add3A_18 : vector<1024x1xf32> to vector<1024x128xf32>
    %div3A_19 = arith.divf %add3A_8, %div3A : vector<1024x128xf32>
    %swap3A = arith.constant 0 : index
    %swap3A_20 = arith.constant 0 : index
    %swap3A_21 = vector.load %arg4[%swap3A, %swap3A_20] : memref<1024x128xf32, #tpu.memory_space<vmem>>, vector<1024x128xf32>
    tpu.vector_store %arg4[%swap3A, %swap3A_20], %div3A_19 {strides = array<i32>} : memref<1024x128xf32, #tpu.memory_space<vmem>>, vector<1024x128xf32>,
    return
  }
  func.func @transform_0(%arg0: i32) -> (i32, i32) {
    %c0_i32 = arith.constant 0 : i32
    %c0_i32_0 = arith.constant 0 : i32
    return %arg0, %c0_i32 : i32, i32
  }
  func.func @transform_1(%arg0: i32) -> (i32, i32) {
    %c0_i32 = arith.constant 0 : i32
    %c0_i32_0 = arith.constant 0 : i32
    return %arg0, %c0_i32 : i32, i32
  }
  func.func @transform_2(%arg0: i32) -> (i32, i32) {
    %c0_i32 = arith.constant 0 : i32
    %c0_i32_0 = arith.constant 0 : i32
    return %arg0, %c0_i32 : i32, i32
  }
  func.func @transform_3(%arg0: i32) -> (i32, i32) {
    %c0_i32 = arith.constant 0 : i32
    %c0_i32_0 = arith.constant 0 : i32
    return %arg0, %c0_i32 : i32, i32
  }
}

</mosaic_0001>

<sc_bundles>
// kernel: kernel.5.cloned.1.call-start
scs
__scs_entry_jumppad:
0x0: {  	(pc) =	sbr.rel $0x88, $3  }
0x1: {  	(tag) =	ssettag $0x0;
	lr =	simm.s32 $0x1  }
0x2: {  	[smem:$0x3F9D] =	sst lr;
	_ =	strace $0xD0000000  }
0x3: {  	_ = 	snop  }
0x4: {  	_ = 	snop  }
0x5: {  	_ = 	snop  }
0x6: {  	_ = 	snop  }
0x7: {  	_ = 	snop  }
__scs_overlays_trampoline_lowered:
0x8: {  	[smem:$0x3FAC] =	sst s0  }
0x9: {  	[smem:$0x3FAD] =	sst s1  }
0xa: {  	[smem:$0x3FAE] =	sst s2  }
0xb: {  	[smem:$0x3FAF] =	sst s3  }
0xc: {  	[smem:$0x3FB0] =	sst s4  }
0xd: {  	[smem:$0x3FB1] =	sst s5  }
0xe: {  	[smem:$0x3FB2] =	sst s6  }
0xf: {  	[smem:$0x3FB3] =	sst s7  }
0x10: {  	[smem:$0x3FB4] =	sst s8  }
0x11: {  	[smem:$0x3FB5] =	sst s9;
	s0 =	simm.s32 @!p0 $0x0  }
0x12: {  	s1 =	sld [smem:$0x3F9B];
	s0 =	simm.s32 @p0 $0x1  }
0x13: {  	[smem:$0x3FB6] =	sst s0;
	s0 =	simm.s32 @!p1 $0x0  }
0x14: {  	s2 =	sld [smem:$0x3F9A];
	s0 =	simm.s32 @p1 $0x1  }
0x15: {  	[smem:$0x3FB7] =	sst s0;
	s0 =	simm.s32 @!p2 $0x0  }
0x16: {  	s3 =	sld [smem:$0x3FDB];
	s0 =	simm.s32 @p2 $0x1  }
0x17: {  	s4 =	simm.s32 $0x1BF5;
	[smem:$0x3FB9] =	sst s0  }
0x18: {  	s0 =	sld [smem:$0x3F9C];
	_ =	swait.ge [sflag:s4], $0x0  }
0x19: {  	s7 =	sld [smem:$0x3F9D]  }
0x1a: {  	s8 =	sadd.s32 $0xFFFFE003, lr  }
0x1b: {  	s9 =	sadd.s32 $0xFFFFFEF7, lr;
	s5 =	simm.s32 $0xFFFFFFFF;
	p2 =	slt.u32 s8, $0xFFFFF086  }
0x1c: {  	p1 =	slt.u32 s9, $0xF7A;
	s5 =	simm.s32 @!p2 $0x0  }
0x1d: {  	s5 =	simm.s32 @p1 $0x1;
	p0 =	seq.s32 s7, s2  }
0x1e: {  	s7 =	smul.u32 @!p0 $0xF7A, s2;
	p2 =	seq.s32 @!p0 s5, $0x0  }
0x1f: {  	s9 =	smul.u32 $0xF7A, s1;
	s8 =	simm.s32 @!p0 $0x1BF5;
	p2 =	por !p2, p0  }
0x20: {  	[sflag:s8] =	ssyncset.s32 @!p0 $0xFFFFF086;
	s6 =	sadd.s32 @!p0 s3, s7;
	s7 =	simm.s32 @!p0 $0x108  }
0x21: {  	s3 =	sadd.s32 s3, s9;
	s6 =	sadd.s32 @!p0 $0x88, s6;
	s7 =	simm.s32 @p2 $0x1082  }
0x22: {  	[simem:s7], [sflag:s8] =	dma.local @!p0 [hbm:s6], $0xF7A  }
0x23: {  	s9 =	sor.u32 $0xD0000000, s2;
	s6 =	simm.s32 $0x108;
	_ =	swait.ge @!p0 [sflag:s8], $0x0  }
0x24: {  	s3 =	sadd.s32 $0x88, s3;
	s6 =	simm.s32 @!p1 $0x1082;
	[sflag:s4] =	ssyncset.s32 $0xFFFFF086  }
0x25: {  	[simem:s6], [sflag:s4] =	dma.local [hbm:s3], $0xF7A  }
0x26: {  	[smem:$0x3F9D] =	sst s1;
	(tag) =	ssettag s2;
	_ =	strace s9  }
0x27: {  	s1 =	sld [smem:$0x3FAD]  }
0x28: {  	s2 =	sld [smem:$0x3FAE]  }
0x29: {  	s4 =	sld [smem:$0x3FB0]  }
0x2a: {  	p0 =	seq.s32 s5, $0x0;
	s5 =	sld [smem:$0x3FB1]  }
0x2b: {  	s6 =	sld [smem:$0x3FB2]  }
0x2c: {  	s7 =	sld [smem:$0x3FB3]  }
0x2d: {  	s3 =	simm.s32 $0x108;
	s8 =	sld [smem:$0x3FB4]  }
0x2e: {  	s3 =	simm.s32 @!p0 $0x1082;
	s9 =	sld [smem:$0x3FB5]  }
0x2f: {  	lr =	sadd.s32 s0, s3;
	s0 =	sld [smem:$0x3FAC]  }
0x30: {  	s3 =	sld [smem:$0x3FAF]  }
0x31: {  	[smem:$0x3FB8] =	sst s10  }
0x32: {  	s10 =	sld [smem:$0x3FB6];
	_ =	sdelay $0x3  }
0x33: {  	p0 =	seq.s32 s10, $0x1;
	s10 =	sld [smem:$0x3FB8];
	_ =	sdelay $0x3  }
0x34: {  	[smem:$0x3FB8] =	sst s10  }
0x35: {  	s10 =	sld [smem:$0x3FB7];
	_ =	sdelay $0x3  }
0x36: {  	p1 =	seq.s32 s10, $0x1;
	s10 =	sld [smem:$0x3FB8];
	_ =	sdelay $0x3  }
0x37: {  	[smem:$0x3FB8] =	sst s10  }
0x38: {  	s10 =	sld [smem:$0x3FB9]  }
0x39: {  	_ = 	snop;
	(pc) =	sbr.ind lr, $3  }
0x3a: {  	_ = 	snop  }
0x3b: {  	_ = 	snop  }
0x3c: {  	p2 =	seq.s32 s10, $0x1;
	s10 =	sld [smem:$0x3FB8]  }
0x3d: {  	_ =	shalt  }
0x3e: {  	_ =	shalt  }
0x3f: {  	_ =	shalt  }
0x40: {  	_ =	shalt  }
0x41: {  	_ =	shalt  }
0x42: {  	_ =	shalt  }
0x43: {  	_ =	shalt  }
0x44: {  	_ =	shalt  }
0x45: {  	_ =	shalt  }
0x46: {  	_ =	shalt  }
0x47: {  	_ =	shalt  }
0x48: {  	_ =	shalt  }
0x49: {  	_ =	shalt  }
0x4a: {  	_ =	shalt  }
0x4b: {  	_ =	shalt  }
0x4c: {  	_ =	shalt  }
0x4d: {  	_ =	shalt  }
0x4e: {  	_ =	shalt  }
0x4f: {  	_ =	shalt  }
0x50: {  	_ =	shalt  }
0x51: {  	_ =	shalt  }
0x52: {  	_ =	shalt  }
0x53: {  	_ =	shalt  }
0x54: {  	_ =	shalt  }
0x55: {  	_ =	shalt  }
0x56: {  	_ =	shalt  }
0x57: {  	_ =	shalt  }
0x58: {  	_ =	shalt  }
0x59: {  	_ =	shalt  }
0x5a: {  	_ =	shalt  }
0x5b: {  	_ =	shalt  }
0x5c: {  	_ =	shalt  }
0x5d: {  	_ =	shalt  }
0x5e: {  	_ =	shalt  }
0x5f: {  	_ =	shalt  }
0x60: {  	_ =	shalt  }
0x61: {  	_ =	shalt  }
0x62: {  	_ =	shalt  }
0x63: {  	_ =	shalt  }
0x64: {  	_ =	shalt  }
0x65: {  	_ =	shalt  }
0x66: {  	_ =	shalt  }
0x67: {  	_ =	shalt  }
0x68: {  	_ =	shalt  }
0x69: {  	_ =	shalt  }
0x6a: {  	_ =	shalt  }
0x6b: {  	_ =	shalt  }
0x6c: {  	_ =	shalt  }
0x6d: {  	_ =	shalt  }
0x6e: {  	_ =	shalt  }
0x6f: {  	_ =	shalt  }
0x70: {  	_ =	shalt  }
0x71: {  	_ =	shalt  }
0x72: {  	_ =	shalt  }
0x73: {  	_ =	shalt  }
0x74: {  	_ =	shalt  }
0x75: {  	_ =	shalt  }
0x76: {  	_ =	shalt  }
0x77: {  	_ =	shalt  }
0x78: {  	_ =	shalt  }
0x79: {  	_ =	shalt  }
0x7a: {  	_ =	shalt  }
0x7b: {  	_ =	shalt  }
0x7c: {  	_ =	shalt  }
0x7d: {  	_ =	shalt  }
0x7e: {  	_ =	shalt  }
0x7f: {  	_ =	shalt  }
0x80: {  	_ =	shalt  }
0x81: {  	_ =	shalt  }
0x82: {  	_ =	shalt  }
0x83: {  	_ =	shalt  }
0x84: {  	_ =	shalt  }
0x85: {  	_ =	shalt  }
0x86: {  	_ =	shalt  }
0x87: {  	_ =	shalt  }
.Lfunc_end0:
.L_simem_size_0:
called_computation_lowered:
.L_overlay_start_0:
0x88: {  	s2 =	sld [smem:$0x3FD9]  }
0x89: {  	s3 =	sld [smem:$0x3FFE];
	_ =	sdelay $0x1  }
0x8a: {  	s1 =	srdreg.scid  }
0x8b: {  	s0 =	sand.u32 $0x1, s1  }
0x8c: {  	s17 =	sshll.u32 s0, $0xA;
	s2 =	sadd.s32 s3, s2  }
0x8d: {  	s2 =	sadd.s32 s2, s17  }
0x8e: {  	[smem:$0x3FC4] =	sst s2  }
0x8f: {  	_ = 	snop  }
0x90: {  	s2 =	sld [smem:$0x3FD0];
	(tm) =	ssettm $0x1  }
0x91: {  	s18 =	sld [smem:$0x3FFB];
	_ =	sdelay $0x3  }
0x92: {  	_ =	strace s18  }
0x93: {  	s3 =	sld [smem:$0x3FFC];
	_ =	sdelay $0x3  }
0x94: {  	_ =	strace s3  }
0x95: {  	s3 =	sld [smem:$0x3FFD];
	_ =	sdelay $0x3  }
0x96: {  	_ =	strace s3  }
0x97: {  	_ =	strace $0x8FFFFFFF  }
0x98: {  	s19 =	sld [smem:$0x3FDB];
	_ =	sdelay $0x1  }
0x99: {  	s4 =	simm.s32 $_scs_section_size  }
0x9a: {  	s5 =	simm.s32 $_size__tile_overlayer_lowered;
	s6 =	simm.s32 $_tile_overlayer_lowered  }
0x9b: {  	s22 =	simm.s32 $0x1BFF;
	s21 =	sshll.u32 s6, $0x1;
	s3 =	sadd.s32 s4, s19  }
0x9c: {  	s7 =	simm.s32 $0x0;
	s20 =	sshll.u32 s5, $0x1;
	s5 =	sadd.s32 s21, s3  }
0x9d: {  	[timem:s7], [sflag:s22] =	dma.local [hbm:s5], s20  }
0x9e: {  	_ =	swait.ge [sflag:s22], s20  }
0x9f: {  	s4 =	ssub.s32 $0x0, s20;
	[sflag:s22] =	ssyncset.done $0x0  }
0xa0: {  	[sflag:s22] =	ssyncadd.s32 s4;
	_ =	sdelay $0x1  }
0xa1: {  	s23 =	simm.s32 $0x1B8B  }
0xa2: {  	_ =	swait.ge [sflag:s23], $0x1  }
0xa3: {  	[sflag:s23] =	ssyncset.done $0x0  }
0xa4: {  	s25 =	simm.s32 $0x1B8E;
	s24 =	sld [smem:$0x3FFE];
	[sflag:s23] =	ssyncadd.s32 $0xFFFFFFFF  }
0xa5: {  	s26 =	simm.s32 $execute0_lowered;
	[smem:$0x3FD2] =	sst s25  }
0xa6: {  	s5 =	sshll.u32 s26, $0x1;
	_ =	strace $0x80000046;
	[dreg:$0x1] =	wrdreg $0xFFFFFFFF  }
0xa7: {  	s28 =	simm.s32 $_size_execute0_lowered;
	s3 =	sadd.s32 s3, s5;
	[dreg:$0x0] =	wrdreg $0x0  }
0xa8: {  	s5 =	sshll.u32 s28, $0x1;
	[dreg:$0x2] =	wrdreg s3  }
0xa9: {  	[dreg:$0x3] =	wrdreg s5  }
0xaa: {  	[dreg:$0x4] =	wrdreg $0xC0  }
0xab: {  	_ =	task [dreg:s7], $0x5FFFF  }
0xac: {  	[dreg:$0x1] =	wrdreg $0xFFFFFFFF  }
0xad: {  	[dreg:$0x0] =	wrdreg $0x60  }
0xae: {  	[dreg:$0x2] =	wrdreg s24  }
0xaf: {  	[dreg:$0x3] =	wrdreg s2  }
0xb0: {  	[dreg:$0x4] =	wrdreg $0x2DA00  }
0xb1: {  	[dreg:$0x5] =	wrdreg $0x9  }
0xb2: {  	_ =	task.clear_ibuf [dreg:s7], $0x6FFFF;
	_ =	strace $0x90000046  }
0xb3: {  	s29 =	simm.s32 $0x9;
	_ =	strace $0x80000048  }
0xb4: {  	_ =	swait.ge [sflag:s29], $0x1  }
0xb5: {  	[sflag:s29] =	ssyncadd.s32 $0xFFFFFFFF  }
0xb6: {  	_ =	strace $0x90000048  }
0xb7: {  	_ =	sfence  }
0xb8: {  	s30 =	sld [smem:$0x0];
	_ =	sdelay $0x2  }
0xb9: {  	s31 =	sshll.u32 s1, $0xD;
	s1 =	sshrl.u32 s1, $0x2  }
0xba: {  	s3 =	sand.u32 $0x4000, s31;
	s1 =	sadd.s32 s1, s30  }
0xbb: {  	s0 =	sor.u32 s3, s0;
	s1 =	sshll.u32 s1, $0x11  }
0xbc: {  	s0 =	sor.u32 s1, s0  }
0xbd: {  	s0 =	sadd.s32 $0x8F2B, s0  }
0xbe: {  	[sflag:s0] =	ssyncadd.remote.s32 $0x1  }
0xbf: {  	_ =	sfence.sel $0xFFFF  }
0xc0: {  	[dreg:$0x0] =	wrdreg $0xFFFFFFFF;
	(pc) =	sbr.abs _section_cstart, $3  }
0xc1: {  	[dreg:$0x1] =	wrdreg $0xFFFFFFFF  }
0xc2: {  	_ =	task.clear_ibuf [dreg:s7], $0x2FFFF;
	_ =	strace $0x9FFFFFFF  }
0xc3: {  	(tm) =	ssettm $0x7FFFFFFF  }
tec
execute0_lowered:
.L_overlay_start_1:
0x0: {  	(tag) =	ssettag $0x1  }
0x1: {  	s5 =	rddreg [dreg:$0x0];
	s0 =	srdreg.scid  }
0x2: {  	s7 =	rddreg [dreg:$0x1];
	s14 =	stileid.u32  }
0x3: {  	s1 =	rddreg [dreg:$0x2];
	s2 =	simm.s32 $0x0;
	s13 =	simm.s32 $0x1  }
0x4: {  	s4 =	sand.u32 $0x1, s0;
	s8 =	smul.u32 $0x2710, s14;
	s0 =	rddreg [dreg:$0x3]  }
0x5: {  	s16 =	simm.s32 $0x0;
	[smem:$0x7FF] =	sst s2;
	s10 =	smul.u32 $0x16800, s14  }
0x6: {  	s3 =	sadd.s32 $0xA200, s5;
	p0 =	sne.s32 s14, $0x0;
	s6 =	smul.u32 $0x27100, s4  }
0x7: {  	s14 =	sshll.u32 s14, $0x6;
	s9 =	smul.u32 $0x168000, s4;
	_ =	strace $0x80000047  }
0x8: {  	s30 =	ssub.s32 $0x2, s4;
	s4 =	sadd.s32 $0x37200, s5;
	s14 =	sor.u32 $0x1C02, s14  }
0x9: {  	s12 =	sshrl.u32 s30, $0x1;
	s15 =	sadd.s32 s10, s1;
	s6 =	sadd.s32 s8, s6  }
0xa: {  	s29 =	sadd.s32 s10, s9;
	s31 =	ssub.s32 s30, s12;
	s9 =	sshrl.u32 @!p0 s1, $0x3  }
0xb: {  	s10 =	simm.s32 $0x2;
	s12 =	simm.s32 $0xA0;
	s8 =	sshrl.u32 s6, $0x3  }
0xc: {  	s15 =	sshrl.u32 s15, $0x3;
	s6 =	sshrl.u32 s29, $0x3;
	s11 =	sadd.s32 s8, s5  }
0xd: {  	s5 =	sadd.s32 s6, s5;
	s6 =	smax.u32 s31, $0x1;
	s7 =	sadd.s32 s8, s7  }
0xe: {  	s5 =	sadd.s32 $0x64200, s5;
	s8 =	sadd.s32 $0x400, s11;
	s11 =	simm.s32 $0x50  }
.LBB2_1:
0xf: {  	s17 =	simm.s32 @!p0 $0x1C02  }
0x10: {  	[spmem:s9], [sflag:s17] =	dma.local @!p0 [hbm:s4], $0x2D000  }
0x11: {  	s17 =	simm.s32 @!p0 $0x2  }
0x12: {  	_ =	swait.ge @!p0 [sflag:s17], $0x2D000  }
0x13: {  	[sflag:s17] =	ssyncset.done @!p0 $0x0  }
0x14: {  	[sflag:s17] =	ssyncadd.s32 @!p0 $0xFFFD3000  }
0x15: {  	s30 =	sadd.s32 $0x0, s8;
	[bflag:$0x0] =	sbarrier.arrive $0xFFFF  }
0x16: {  	[tilespmem:s2], [sflag:$0x2] =	stream.linear.gather [hbm4b:s30+s2], $0x50, $0x38;
	[tilespmem:$0x195A0] =	vst v63  }
0x17: {  	_ =	swait.ge [sflag:s10], $0x50  }
0x18: {  	[sflag:s10] =	ssyncset.done $0x0  }
0x19: {  	s31 =	sadd.s32 $0x0, s7;
	[sflag:s10] =	ssyncadd.s32 $0xFFFFFFB0  }
0x1a: {  	[tilespmem:s11], [sflag:$0x2] =	stream.linear.gather [hbm4b:s31+s2], $0x50, $0x38;
	[tilespmem:$0x195A0] =	vst v63  }
0x1b: {  	_ =	swait.ge [sflag:s10], $0x50  }
0x1c: {  	[sflag:s10] =	ssyncset.done $0x0  }
0x1d: {  	[sflag:s10] =	ssyncadd.s32 $0xFFFFFFB0  }
0x1e: {  	[tilespmem:s12], [sflag:$0x1] =	stream.indirect.gather [hbm4b:s3+s11], $0x90, s2, s11, $0xb8;
	[tilespmem:$0x195A0] =	vst v63  }
0x1f: {  	_ =	swait.ge [sflag:s13], $0x2D00  }
0x20: {  	[sflag:s13] =	ssyncset.done $0x0  }
0x21: {  	[sflag:s13] =	ssyncadd.s32 $0xFFFFD300  }
0x22: {  	[spmem:s1] =	stream.indirect.scatter.add.f32 [tilespmem:s12], [sflag:$0x2], $0x90, s11, s11, $0xb8;
	[tilespmem:$0x195A0] =	vst v63  }
0x23: {  	_ =	swait.ge [sflag:s10], $0x2D00  }
0x24: {  	s18 =	simm.s32 $0x14;
	s17 =	simm.s32 $0xA;
	[sflag:s10] =	ssyncset.done $0x0  }
.LBB2_2:
0x25: {  	s19 =	sadd.s32 s17, s8  }
0x26: {  	[sflag:s10] =	ssyncadd.s32 $0xFFFFD300;
	s20 =	smov.u32 s18;
	s21 =	sadd.s32 $0xA, s18  }
0x27: {  	[tilespmem:s2], [sflag:$0x2] =	stream.linear.gather [hbm4b:s19+s2], $0x50, $0x38;
	[tilespmem:$0x195A0] =	vst v63  }
0x28: {  	p1 =	sne.s32 s18, $0x4D8;
	_ =	swait.ge [sflag:s10], $0x50  }
0x29: {  	[sflag:s10] =	ssyncset.done $0x0  }
0x2a: {  	s18 =	sadd.s32 s17, s7;
	s17 =	smov.u32 s20;
	[sflag:s10] =	ssyncadd.s32 $0xFFFFFFB0  }
0x2b: {  	[tilespmem:s11], [sflag:$0x2] =	stream.linear.gather [hbm4b:s18+s2], $0x50, $0x38;
	[tilespmem:$0x195A0] =	vst v63  }
0x2c: {  	_ =	swait.ge [sflag:s10], $0x50  }
0x2d: {  	[sflag:s10] =	ssyncset.done $0x0  }
0x2e: {  	[sflag:s10] =	ssyncadd.s32 $0xFFFFFFB0  }
0x2f: {  	[tilespmem:s12], [sflag:$0x1] =	stream.indirect.gather [hbm4b:s3+s11], $0x90, s2, s11, $0xb8;
	[tilespmem:$0x195A0] =	vst v63  }
0x30: {  	_ =	swait.ge [sflag:s13], $0x2D00  }
.Ltmp0:
0x31: {  	[sflag:s13] =	ssyncset.done $0x0;
	(pc) =	sbr.rel @p1 .LBB2_2-.Ltmp0, $4  }
0x32: {  	[sflag:s13] =	ssyncadd.s32 $0xFFFFD300  }
0x33: {  	[spmem:s1] =	stream.indirect.scatter.add.f32 [tilespmem:s12], [sflag:$0x2], $0x90, s11, s11, $0xb8;
	[tilespmem:$0x195A0] =	vst v63  }
0x34: {  	_ =	swait.ge [sflag:s10], $0x2D00  }
0x35: {  	s18 =	smov.u32 s21;
	[sflag:s10] =	ssyncset.done $0x0  }
0x36: {  	s18 =	sadd.s32 s17, s8;
	[sflag:s10] =	ssyncadd.s32 $0xFFFFD300  }
0x37: {  	[tilespmem:s2], [sflag:$0x2] =	stream.linear.gather [hbm4b:s18+s2], $0x50, $0x38;
	[tilespmem:$0x195A0] =	vst v63  }
0x38: {  	_ =	swait.ge [sflag:s10], $0x50  }
0x39: {  	[sflag:s10] =	ssyncset.done $0x0  }
0x3a: {  	s31 =	sadd.s32 s17, s7;
	[sflag:s10] =	ssyncadd.s32 $0xFFFFFFB0  }
0x3b: {  	[tilespmem:s11], [sflag:$0x2] =	stream.linear.gather [hbm4b:s31+s2], $0x50, $0x38;
	[tilespmem:$0x195A0] =	vst v63  }
0x3c: {  	_ =	swait.ge [sflag:s10], $0x50  }
0x3d: {  	[sflag:s10] =	ssyncset.done $0x0  }
0x3e: {  	[sflag:s10] =	ssyncadd.s32 $0xFFFFFFB0  }
0x3f: {  	[tilespmem:s12], [sflag:$0x1] =	stream.indirect.gather [hbm4b:s3+s11], $0x90, s2, s11, $0xb8;
	[tilespmem:$0x195A0] =	vst v63  }
0x40: {  	_ =	swait.ge [sflag:s13], $0x2D00  }
0x41: {  	[sflag:s13] =	ssyncset.done $0x0  }
0x42: {  	[sflag:s13] =	ssyncadd.s32 $0xFFFFD300  }
0x43: {  	[spmem:s1] =	stream.indirect.scatter.add.f32 [tilespmem:s12], [sflag:$0x2], $0x90, s11, s11, $0xb8;
	[tilespmem:$0x195A0] =	vst v63  }
0x44: {  	_ =	swait.ge [sflag:s10], $0x2D00  }
0x45: {  	s16 =	sadd.s32 $0x1, s16;
	[sflag:s10] =	ssyncset.done $0x0  }
0x46: {  	p1 =	sne.s32 s16, s6;
	[sflag:s10] =	ssyncadd.s32 $0xFFFFD300  }
.Ltmp1:
0x47: {  	[bflag:$0x0] =	sbarrier.arrive $0xFFFF;
	(pc) =	sbr.rel @p1 .LBB2_1-.Ltmp1, $4  }
0x48: {  	[hbm:s5], [sflag:s14] =	dma.local [spmem:s15], $0x2D00  }
0x49: {  	_ =	swait.ge [sflag:s10], $0x2D00  }
0x4a: {  	[sflag:s10] =	ssyncset.done $0x0  }
0x4b: {  	[sflag:s10] =	ssyncadd.s32 $0xFFFFD300  }
0x4c: {  	_ =	sfence.sel $0x180000  }
0x4d: {  	[bflag:$0x0] =	sbarrier.arrive $0xFFFF  }
0x4e: {  	_ =	strace $0x90000047  }
0x4f: {  	s0 =	sadd.s32 @!p0 $0x100000, s0;
	[bflag:$0x2] =	sbarrier.arrive $0xFFFF  }
0x50: {  	[sflag:s0] =	ssyncadd.tile.s32 @!p0 $0x1;
	_ =	shalt  }
.Lfunc_end2:
_tile_overlayer_lowered:
.L_overlay_start_2:
0x51: {  	(tag) =	ssettag $0x2  }
0x52: {  	s0 =	rddreg [dreg:$0x0];
	s2 =	stileid.u32  }
0x53: {  	s1 =	rddreg [dreg:$0x1];
	p0 =	sne.s32 s2, $0x0  }
0x54: {  	s3 =	rddreg [dreg:$0x2];
	[bflag:$0x3] =	sbarrier.arrive $0xFFFF;
	s2 =	simm.s32 @!p0 $0x1C02  }
0x55: {  	[timem:s3], [sflag:s2] =	dma.local @!p0 [hbm:s0], s1  }
0x56: {  	s0 =	simm.s32 @!p0 $0x2  }
0x57: {  	_ =	swait.ge @!p0 [sflag:s0], s1  }
0x58: {  	s1 =	ssub.s32 @!p0 $0x0, s1;
	[sflag:s0] =	ssyncset.done @!p0 $0x0  }
0x59: {  	[sflag:s0] =	ssyncadd.s32 @!p0 s1  }
0x5a: {  	[bflag:$0x3] =	sbarrier.arrive $0xFFFF  }
0x5b: {  	_ =	shalt  }

</sc_bundles>
